<compile_context>
chip_gen: v7x
topology: tpu7x:2x2x1
jax: 0.10.2.dev20260603
libtpu: 0.0.44.dev20260713+nightly
codegen_flags: <defaults>
</compile_context>

<pallas_src>
import functools

import jax
import jax.numpy as jnp
from jax import lax
from jax.experimental import pallas as pl
from jax.experimental.pallas import tpu as pltpu
from jax.experimental.pallas import tpu_sc as plsc

NUM_CORES = 2
NUM_SUBCORES = 16
NUM_WORKERS = NUM_CORES * NUM_SUBCORES
NBUF = 5


@functools.cache
def _make_gather(NB: int, H: int, D: int, V: int):
    assert NB % NUM_WORKERS == 0
    b_per_w = NB // NUM_WORKERS
    assert H % NBUF == 0
    mesh = plsc.VectorSubcoreMesh(core_axis_name="c", subcore_axis_name="s")

    @functools.partial(
        pl.kernel,
        mesh=mesh,
        out_type=jax.ShapeDtypeStruct((H, NB, D), jnp.float32),
        scratch_types=[
            pltpu.VMEM((H, b_per_w), jnp.int32),
            pltpu.VMEM((NBUF, b_per_w, D), jnp.float32),
            pltpu.VMEM_SHARED((V, D), jnp.float32),
            pltpu.SemaphoreType.DMA((NBUF,)),
            pltpu.SemaphoreType.DMA((NBUF,)),
        ],
    )
    def gather_kernel(table_hbm, idx_hbm, out_hbm, idx_v, rows_v,
                      table_sp, gsem, wsem):
        wid = lax.axis_index("s") * NUM_CORES + lax.axis_index("c")
        b0 = pl.multiple_of(wid * b_per_w, b_per_w)

        @pl.when(lax.axis_index("s") == 0)
        def _stage_table():
            pltpu.sync_copy(table_hbm, table_sp)

        pltpu.sync_copy(idx_hbm.at[wid], idx_v)
        plsc.subcore_barrier()

        def start_gather(h, buf):
            pltpu.async_copy(table_sp.at[idx_v.at[h]], rows_v.at[buf],
                             gsem.at[buf])

        def wait_gather(buf):
            pltpu.make_async_copy(table_sp.at[idx_v.at[0]], rows_v.at[buf],
                                  gsem.at[buf]).wait()

        def start_write(h, buf):
            pltpu.async_copy(rows_v.at[buf],
                             out_hbm.at[h, pl.ds(b0, b_per_w)], wsem.at[buf])

        def wait_write(buf):
            pltpu.make_async_copy(rows_v.at[buf],
                                  out_hbm.at[0, pl.ds(b0, b_per_w)],
                                  wsem.at[buf]).wait()

        for i in range(NBUF - 1):
            start_gather(i, i)

        @pl.loop(0, H)
        def step(h):
            b = lax.rem(h, NBUF)
            bg = lax.rem(h + NBUF - 1, NBUF)
            in_range = h + NBUF - 1 < H

            @pl.when(jnp.logical_and(in_range, h >= 1))
            def _drain():
                wait_write(bg)

            @pl.when(in_range)
            def _prefetch():
                start_gather(h + NBUF - 1, bg)

            wait_gather(b)
            start_write(h, b)

        for i in range(NBUF):
            wait_write(i)

    return gather_kernel


def kernel(words, table):
    NB, H = words.shape
    V, D = table.shape
    b_per_w = NB // NUM_WORKERS
    idx = words.reshape(NUM_WORKERS, b_per_w, H).transpose(0, 2, 1)
    out = _make_gather(NB, H, D, V)(table, idx)
    return out.transpose(1, 0, 2)

# --- scband reference (transcript-rebuilt; emitter-appended) ---
"""Pipeline reference for scband-word-embedder-9929964389120 (READ-ONLY COPY).

The authoritative reference and input builder live on the scoring server;
editing this copy changes nothing except your own understanding.
"""

import jax, jax.numpy as jnp
import numpy as np

VOCAB = 1000
EMBED_DIM = 128
BATCH = 4096
HIST = 50

def setup_inputs(seed: int = 0) -> dict:
    key = jax.random.key(seed)
    k1, k2 = jax.random.split(key)
    words = jax.random.randint(k1, (BATCH, HIST), 0, VOCAB, dtype=jnp.int32)
    # learned parameter: embedding table, initialized as 0.001 * randn like the torch module
    table = 0.001 * jax.random.normal(k2, (VOCAB, EMBED_DIM), dtype=jnp.float32)
    return {"words": words, "table": table}

def reference(words, table):
    # WordEmbedder.forward: embeds = self.word_embeddings(data['words'])
    embeds = jnp.take(table, words, axis=0)
    return embeds

if __name__ == "__main__":
    import jax
    _d = setup_inputs()
    print(jax.jit(kernel)(*tuple(_d.values())))

</pallas_src>

<mosaic_0001>
#map = affine_map<(d0, d1) -> (0, 0)>
#map1 = affine_map<(d0, d1) -> (0, 0, 0)>
module attributes {stable_mosaic.version = 14 : i64} {
  func.func @gather_kernel(%arg0: i32, %arg1: i32, %arg2: memref<1000x128xf32, #tpu.memory_space<hbm>>, %arg3: memref<32x50x128xi32, #tpu.memory_space<hbm>>, %arg4: memref<50x4096x128xf32, #tpu.memory_space<hbm>>, %arg5: memref<50x128xi32, #tpu.memory_space<vmem>>, %arg6: memref<5x128x128xf32, #tpu.memory_space<vmem>>, %arg7: memref<1000x128xf32, #tpu.memory_space<vmem_shared>>, %arg8: memref<5x!tpu.dma_semaphore, #tpu.memory_space<semaphore_mem>>, %arg9: memref<5x!tpu.dma_semaphore, #tpu.memory_space<semaphore_mem>>) attributes {dimension_semantics = [#tpu.dimension_semantics<core_parallel>, #tpu.dimension_semantics<subcore_parallel>], iteration_bounds = array<i64: 2, 16>, scalar_prefetch = 0 : i64, scratch_operands = 5 : i64, tpu.core_type = #tpu.core_type<sc_vector_subcore>, window_params = [{transform_indices = #map}, {transform_indices = #map1}, {transform_indices = #map1}]} {
    %mul3A = arith.constant 2 : i32
    %mul3A_0 = arith.muli %arg1, %mul3A : i32
    %add3A = arith.addi %mul3A_0, %arg0 : i32
    %mul3A_1 = arith.constant 128 : i32
    %mul3A_2 = arith.muli %add3A, %mul3A_1 : i32
    %multiple_of3A = tpu.assume_multiple %mul3A_2, 128 : i32
    %eq3A = arith.constant 0 : i32
    %eq3A_3 = arith.cmpi eq, %arg1, %eq3A : i32
    %convert_element_type3A = arith.extui %eq3A_3 : i1 to i32
    %cond3A = arith.constant 0 : i32
    %cond3A_4 = arith.cmpi ne, %convert_element_type3A, %cond3A : i32
    scf.if %cond3A_4 {
      "tpu.region"() ({
        %run_scoped3A = tpu.sem_alloc : memref<!tpu.dma_semaphore, #tpu.memory_space<semaphore_mem>>
        tpu.enqueue_dma source(%arg2 : memref<1000x128xf32, #tpu.memory_space<hbm>>) target(%arg7 : memref<1000x128xf32, #tpu.memory_space<vmem_shared>>) target_semaphore(%run_scoped3A : memref<!tpu.dma_semaphore, #tpu.memory_space<semaphore_mem>>)
        tpu.wait_dma2 semaphore(%run_scoped3A : memref<!tpu.dma_semaphore, #tpu.memory_space<semaphore_mem>>) src(%arg2 : memref<1000x128xf32, #tpu.memory_space<hbm>>) dst(%arg7 : memref<1000x128xf32, #tpu.memory_space<vmem_shared>>)
        tpu.yield
      }) : () -> ()
    } else {
    }
    "tpu.region"() ({
      %run_scoped3A = tpu.sem_alloc : memref<!tpu.dma_semaphore, #tpu.memory_space<semaphore_mem>>
      %dma_start3A_162 = arith.constant 0 : i32
      %dma_start3A_163 = arith.constant 0 : i32
      %dma_start3A_164 = tpu.memref_slice %arg3[%add3A, %dma_start3A_162, %dma_start3A_163] : memref<32x50x128xi32, #tpu.memory_space<hbm>> -> memref<1x50x128xi32, #tpu.memory_space<hbm>>
      %dma_start3A_165 = tpu.memref_squeeze %dma_start3A_164 : memref<1x50x128xi32, #tpu.memory_space<hbm>> -> memref<50x128xi32, #tpu.memory_space<hbm>>
      %dma_start3A_166 = arith.constant 0 : i32
      %dma_start3A_167 = arith.constant 0 : i32
      %dma_start3A_168 = tpu.memref_slice %arg3[%add3A, %dma_start3A_166, %dma_start3A_167] : memref<32x50x128xi32, #tpu.memory_space<hbm>> -> memref<1x50x128xi32, #tpu.memory_space<hbm>>
      %dma_start3A_169 = tpu.memref_squeeze %dma_start3A_168 : memref<1x50x128xi32, #tpu.memory_space<hbm>> -> memref<50x128xi32, #tpu.memory_space<hbm>>
      tpu.enqueue_dma source(%dma_start3A_169 : memref<50x128xi32, #tpu.memory_space<hbm>>) target(%arg5 : memref<50x128xi32, #tpu.memory_space<vmem>>) target_semaphore(%run_scoped3A : memref<!tpu.dma_semaphore, #tpu.memory_space<semaphore_mem>>)
      %dma_wait3A_170 = arith.constant 0 : i32
      %dma_wait3A_171 = arith.constant 0 : i32
      %dma_wait3A_172 = tpu.memref_slice %arg3[%add3A, %dma_wait3A_170, %dma_wait3A_171] : memref<32x50x128xi32, #tpu.memory_space<hbm>> -> memref<1x50x128xi32, #tpu.memory_space<hbm>>
      %dma_wait3A_173 = tpu.memref_squeeze %dma_wait3A_172 : memref<1x50x128xi32, #tpu.memory_space<hbm>> -> memref<50x128xi32, #tpu.memory_space<hbm>>
      %dma_wait3A_174 = arith.constant 0 : i32
      %dma_wait3A_175 = arith.constant 0 : i32
      %dma_wait3A_176 = tpu.memref_slice %arg3[%add3A, %dma_wait3A_174, %dma_wait3A_175] : memref<32x50x128xi32, #tpu.memory_space<hbm>> -> memref<1x50x128xi32, #tpu.memory_space<hbm>>
      %dma_wait3A_177 = tpu.memref_squeeze %dma_wait3A_176 : memref<1x50x128xi32, #tpu.memory_space<hbm>> -> memref<50x128xi32, #tpu.memory_space<hbm>>
      tpu.wait_dma2 semaphore(%run_scoped3A : memref<!tpu.dma_semaphore, #tpu.memory_space<semaphore_mem>>) src(%dma_wait3A_177 : memref<50x128xi32, #tpu.memory_space<hbm>>) dst(%arg5 : memref<50x128xi32, #tpu.memory_space<vmem>>)
      tpu.yield
    }) : () -> ()
    %barrier3A = arith.constant 0 : index
    tpu.barrier barrier_id(%barrier3A)
    %dma_start3A = arith.constant 0 : i32
    %dma_start3A_5 = arith.constant 0 : i32
    %dma_start3A_6 = arith.constant 0 : i32
    %dma_start3A_7 = arith.constant 0 : i32
    %dma_start3A_8 = arith.constant 0 : i32
    %dma_start3A_9 = tpu.memref_slice %arg6[%dma_start3A_5, %dma_start3A_7, %dma_start3A_8] : memref<5x128x128xf32, #tpu.memory_space<vmem>> -> memref<1x128x128xf32, #tpu.memory_space<vmem>>
    %dma_start3A_10 = tpu.memref_squeeze %dma_start3A_9 : memref<1x128x128xf32, #tpu.memory_space<vmem>> -> memref<128x128xf32, #tpu.memory_space<vmem>>
    %dma_start3A_11 = arith.constant 0 : i32
    %dma_start3A_12 = tpu.memref_slice %arg5[%dma_start3A, %dma_start3A_11] : memref<50x128xi32, #tpu.memory_space<vmem>> -> memref<1x128xi32, #tpu.memory_space<vmem>>
    %dma_start3A_13 = tpu.memref_squeeze %dma_start3A_12 : memref<1x128xi32, #tpu.memory_space<vmem>> -> memref<128xi32, #tpu.memory_space<vmem>>
    %dma_start3A_14 = arith.constant 0 : i32
    %dma_start3A_15 = arith.constant 0 : i32
    %dma_start3A_16 = tpu.memref_slice %arg7[%dma_start3A_14, %dma_start3A_15] : memref<1000x128xf32, #tpu.memory_space<vmem_shared>> -> memref<1000x128xf32, #tpu.memory_space<vmem_shared>>
    %dma_start3A_17 = tpu.memref_slice %arg8[%dma_start3A_6] : memref<5x!tpu.dma_semaphore, #tpu.memory_space<semaphore_mem>> -> memref<1x!tpu.dma_semaphore, #tpu.memory_space<semaphore_mem>>
    %dma_start3A_18 = tpu.memref_squeeze %dma_start3A_17 : memref<1x!tpu.dma_semaphore, #tpu.memory_space<semaphore_mem>> -> memref<!tpu.dma_semaphore, #tpu.memory_space<semaphore_mem>>
    tpu.enqueue_indirect_dma source(%dma_start3A_16 : memref<1000x128xf32, #tpu.memory_space<vmem_shared>>) target(%dma_start3A_10 : memref<128x128xf32, #tpu.memory_space<vmem>>) offsets(%dma_start3A_13 : memref<128xi32, #tpu.memory_space<vmem>>) semaphore(%dma_start3A_18 : memref<!tpu.dma_semaphore, #tpu.memory_space<semaphore_mem>>)
    %dma_start3A_19 = arith.constant 1 : i32
    %dma_start3A_20 = arith.constant 1 : i32
    %dma_start3A_21 = arith.constant 1 : i32
    %dma_start3A_22 = arith.constant 0 : i32
    %dma_start3A_23 = arith.constant 0 : i32
    %dma_start3A_24 = tpu.memref_slice %arg6[%dma_start3A_20, %dma_start3A_22, %dma_start3A_23] : memref<5x128x128xf32, #tpu.memory_space<vmem>> -> memref<1x128x128xf32, #tpu.memory_space<vmem>>
    %dma_start3A_25 = tpu.memref_squeeze %dma_start3A_24 : memref<1x128x128xf32, #tpu.memory_space<vmem>> -> memref<128x128xf32, #tpu.memory_space<vmem>>
    %dma_start3A_26 = arith.constant 0 : i32
    %dma_start3A_27 = tpu.memref_slice %arg5[%dma_start3A_19, %dma_start3A_26] : memref<50x128xi32, #tpu.memory_space<vmem>> -> memref<1x128xi32, #tpu.memory_space<vmem>>
    %dma_start3A_28 = tpu.memref_squeeze %dma_start3A_27 : memref<1x128xi32, #tpu.memory_space<vmem>> -> memref<128xi32, #tpu.memory_space<vmem>>
    %dma_start3A_29 = arith.constant 0 : i32
    %dma_start3A_30 = arith.constant 0 : i32
    %dma_start3A_31 = tpu.memref_slice %arg7[%dma_start3A_29, %dma_start3A_30] : memref<1000x128xf32, #tpu.memory_space<vmem_shared>> -> memref<1000x128xf32, #tpu.memory_space<vmem_shared>>
    %dma_start3A_32 = tpu.memref_slice %arg8[%dma_start3A_21] : memref<5x!tpu.dma_semaphore, #tpu.memory_space<semaphore_mem>> -> memref<1x!tpu.dma_semaphore, #tpu.memory_space<semaphore_mem>>
    %dma_start3A_33 = tpu.memref_squeeze %dma_start3A_32 : memref<1x!tpu.dma_semaphore, #tpu.memory_space<semaphore_mem>> -> memref<!tpu.dma_semaphore, #tpu.memory_space<semaphore_mem>>
    tpu.enqueue_indirect_dma source(%dma_start3A_31 : memref<1000x128xf32, #tpu.memory_space<vmem_shared>>) target(%dma_start3A_25 : memref<128x128xf32, #tpu.memory_space<vmem>>) offsets(%dma_start3A_28 : memref<128xi32, #tpu.memory_space<vmem>>) semaphore(%dma_start3A_33 : memref<!tpu.dma_semaphore, #tpu.memory_space<semaphore_mem>>)
    %dma_start3A_34 = arith.constant 2 : i32
    %dma_start3A_35 = arith.constant 2 : i32
    %dma_start3A_36 = arith.constant 2 : i32
    %dma_start3A_37 = arith.constant 0 : i32
    %dma_start3A_38 = arith.constant 0 : i32
    %dma_start3A_39 = tpu.memref_slice %arg6[%dma_start3A_35, %dma_start3A_37, %dma_start3A_38] : memref<5x128x128xf32, #tpu.memory_space<vmem>> -> memref<1x128x128xf32, #tpu.memory_space<vmem>>
    %dma_start3A_40 = tpu.memref_squeeze %dma_start3A_39 : memref<1x128x128xf32, #tpu.memory_space<vmem>> -> memref<128x128xf32, #tpu.memory_space<vmem>>
    %dma_start3A_41 = arith.constant 0 : i32
    %dma_start3A_42 = tpu.memref_slice %arg5[%dma_start3A_34, %dma_start3A_41] : memref<50x128xi32, #tpu.memory_space<vmem>> -> memref<1x128xi32, #tpu.memory_space<vmem>>
    %dma_start3A_43 = tpu.memref_squeeze %dma_start3A_42 : memref<1x128xi32, #tpu.memory_space<vmem>> -> memref<128xi32, #tpu.memory_space<vmem>>
    %dma_start3A_44 = arith.constant 0 : i32
    %dma_start3A_45 = arith.constant 0 : i32
    %dma_start3A_46 = tpu.memref_slice %arg7[%dma_start3A_44, %dma_start3A_45] : memref<1000x128xf32, #tpu.memory_space<vmem_shared>> -> memref<1000x128xf32, #tpu.memory_space<vmem_shared>>
    %dma_start3A_47 = tpu.memref_slice %arg8[%dma_start3A_36] : memref<5x!tpu.dma_semaphore, #tpu.memory_space<semaphore_mem>> -> memref<1x!tpu.dma_semaphore, #tpu.memory_space<semaphore_mem>>
    %dma_start3A_48 = tpu.memref_squeeze %dma_start3A_47 : memref<1x!tpu.dma_semaphore, #tpu.memory_space<semaphore_mem>> -> memref<!tpu.dma_semaphore, #tpu.memory_space<semaphore_mem>>
    tpu.enqueue_indirect_dma source(%dma_start3A_46 : memref<1000x128xf32, #tpu.memory_space<vmem_shared>>) target(%dma_start3A_40 : memref<128x128xf32, #tpu.memory_space<vmem>>) offsets(%dma_start3A_43 : memref<128xi32, #tpu.memory_space<vmem>>) semaphore(%dma_start3A_48 : memref<!tpu.dma_semaphore, #tpu.memory_space<semaphore_mem>>)
    %dma_start3A_49 = arith.constant 3 : i32
    %dma_start3A_50 = arith.constant 3 : i32
    %dma_start3A_51 = arith.constant 3 : i32
    %dma_start3A_52 = arith.constant 0 : i32
    %dma_start3A_53 = arith.constant 0 : i32
    %dma_start3A_54 = tpu.memref_slice %arg6[%dma_start3A_50, %dma_start3A_52, %dma_start3A_53] : memref<5x128x128xf32, #tpu.memory_space<vmem>> -> memref<1x128x128xf32, #tpu.memory_space<vmem>>
    %dma_start3A_55 = tpu.memref_squeeze %dma_start3A_54 : memref<1x128x128xf32, #tpu.memory_space<vmem>> -> memref<128x128xf32, #tpu.memory_space<vmem>>
    %dma_start3A_56 = arith.constant 0 : i32
    %dma_start3A_57 = tpu.memref_slice %arg5[%dma_start3A_49, %dma_start3A_56] : memref<50x128xi32, #tpu.memory_space<vmem>> -> memref<1x128xi32, #tpu.memory_space<vmem>>
    %dma_start3A_58 = tpu.memref_squeeze %dma_start3A_57 : memref<1x128xi32, #tpu.memory_space<vmem>> -> memref<128xi32, #tpu.memory_space<vmem>>
    %dma_start3A_59 = arith.constant 0 : i32
    %dma_start3A_60 = arith.constant 0 : i32
    %dma_start3A_61 = tpu.memref_slice %arg7[%dma_start3A_59, %dma_start3A_60] : memref<1000x128xf32, #tpu.memory_space<vmem_shared>> -> memref<1000x128xf32, #tpu.memory_space<vmem_shared>>
    %dma_start3A_62 = tpu.memref_slice %arg8[%dma_start3A_51] : memref<5x!tpu.dma_semaphore, #tpu.memory_space<semaphore_mem>> -> memref<1x!tpu.dma_semaphore, #tpu.memory_space<semaphore_mem>>
    %dma_start3A_63 = tpu.memref_squeeze %dma_start3A_62 : memref<1x!tpu.dma_semaphore, #tpu.memory_space<semaphore_mem>> -> memref<!tpu.dma_semaphore, #tpu.memory_space<semaphore_mem>>
    tpu.enqueue_indirect_dma source(%dma_start3A_61 : memref<1000x128xf32, #tpu.memory_space<vmem_shared>>) target(%dma_start3A_55 : memref<128x128xf32, #tpu.memory_space<vmem>>) offsets(%dma_start3A_58 : memref<128xi32, #tpu.memory_space<vmem>>) semaphore(%dma_start3A_63 : memref<!tpu.dma_semaphore, #tpu.memory_space<semaphore_mem>>)
    %scan3A = arith.constant 0 : i32
    %scan3A_64 = arith.constant 50 : i32
    %scan3A_65 = arith.addi %scan3A, %scan3A_64 : i32
    %scan3A_66 = arith.constant 1 : i32
    scf.for %scan3A_162 = %scan3A to %scan3A_65 step %scan3A_66  : i32 {
      %mul3A_163 = arith.constant 1 : i32
      %mul3A_164 = arith.muli %scan3A_162, %mul3A_163 : i32
      %add3A_165 = arith.constant 0 : i32
      %add3A_166 = arith.addi %add3A_165, %mul3A_164 : i32
      %rem3A = arith.constant 5 : i32
      %rem3A_167 = arith.remsi %add3A_166, %rem3A : i32
      %add3A_168 = arith.constant 5 : i32
      %add3A_169 = arith.addi %add3A_166, %add3A_168 : i32
      %sub3A = arith.constant 1 : i32
      %sub3A_170 = arith.subi %add3A_169, %sub3A : i32
      %rem3A_171 = arith.constant 5 : i32
      %rem3A_172 = arith.remsi %sub3A_170, %rem3A_171 : i32
      %add3A_173 = arith.constant 5 : i32
      %add3A_174 = arith.addi %add3A_166, %add3A_173 : i32
      %sub3A_175 = arith.constant 1 : i32
      %sub3A_176 = arith.subi %add3A_174, %sub3A_175 : i32
      %lt3A = arith.constant 50 : i32
      %lt3A_177 = arith.cmpi slt, %sub3A_176, %lt3A : i32
      %ge3A = arith.constant 1 : i32
      %ge3A_178 = arith.cmpi sge, %add3A_166, %ge3A : i32
      %and3A = arith.andi %lt3A_177, %ge3A_178 : i1
      %convert_element_type3A_179 = arith.extui %and3A : i1 to i32
      %cond3A_180 = arith.constant 0 : i32
      %cond3A_181 = arith.cmpi ne, %convert_element_type3A_179, %cond3A_180 : i32
      scf.if %cond3A_181 {
        %dma_wait3A_214 = arith.constant 0 : i32
        %dma_wait3A_215 = arith.constant 0 : i32
        %dma_wait3A_216 = arith.constant 0 : i32
        %dma_wait3A_217 = tpu.memref_slice %arg6[%rem3A_172, %dma_wait3A_215, %dma_wait3A_216] : memref<5x128x128xf32, #tpu.memory_space<vmem>> -> memref<1x128x128xf32, #tpu.memory_space<vmem>>
        %dma_wait3A_218 = tpu.memref_squeeze %dma_wait3A_217 : memref<1x128x128xf32, #tpu.memory_space<vmem>> -> memref<128x128xf32, #tpu.memory_space<vmem>>
        %dma_wait3A_219 = arith.constant 0 : i32
        %dma_wait3A_220 = tpu.memref_slice %arg4[%dma_wait3A_214, %multiple_of3A, %dma_wait3A_219] : memref<50x4096x128xf32, #tpu.memory_space<hbm>> -> memref<1x128x128xf32, #tpu.memory_space<hbm>>
        %dma_wait3A_221 = tpu.memref_squeeze %dma_wait3A_220 : memref<1x128x128xf32, #tpu.memory_space<hbm>> -> memref<128x128xf32, #tpu.memory_space<hbm>>
        %dma_wait3A_222 = tpu.memref_slice %arg9[%rem3A_172] : memref<5x!tpu.dma_semaphore, #tpu.memory_space<semaphore_mem>> -> memref<1x!tpu.dma_semaphore, #tpu.memory_space<semaphore_mem>>
        %dma_wait3A_223 = tpu.memref_squeeze %dma_wait3A_222 : memref<1x!tpu.dma_semaphore, #tpu.memory_space<semaphore_mem>> -> memref<!tpu.dma_semaphore, #tpu.memory_space<semaphore_mem>>
        %dma_wait3A_224 = arith.constant 0 : i32
        %dma_wait3A_225 = tpu.memref_slice %arg4[%dma_wait3A_214, %multiple_of3A, %dma_wait3A_224] : memref<50x4096x128xf32, #tpu.memory_space<hbm>> -> memref<1x128x128xf32, #tpu.memory_space<hbm>>
        %dma_wait3A_226 = tpu.memref_squeeze %dma_wait3A_225 : memref<1x128x128xf32, #tpu.memory_space<hbm>> -> memref<128x128xf32, #tpu.memory_space<hbm>>
        %dma_wait3A_227 = arith.constant 0 : i32
        %dma_wait3A_228 = arith.constant 0 : i32
        %dma_wait3A_229 = tpu.memref_slice %arg6[%rem3A_172, %dma_wait3A_227, %dma_wait3A_228] : memref<5x128x128xf32, #tpu.memory_space<vmem>> -> memref<1x128x128xf32, #tpu.memory_space<vmem>>
        %dma_wait3A_230 = tpu.memref_squeeze %dma_wait3A_229 : memref<1x128x128xf32, #tpu.memory_space<vmem>> -> memref<128x128xf32, #tpu.memory_space<vmem>>
        tpu.wait_dma2 semaphore(%dma_wait3A_223 : memref<!tpu.dma_semaphore, #tpu.memory_space<semaphore_mem>>) src(%dma_wait3A_230 : memref<128x128xf32, #tpu.memory_space<vmem>>) dst(%dma_wait3A_226 : memref<128x128xf32, #tpu.memory_space<hbm>>)
      } else {
      }
      %convert_element_type3A_182 = arith.extui %lt3A_177 : i1 to i32
      %cond3A_183 = arith.constant 0 : i32
      %cond3A_184 = arith.cmpi ne, %convert_element_type3A_182, %cond3A_183 : i32
      scf.if %cond3A_184 {
        %add3A_214 = arith.constant 5 : i32
        %add3A_215 = arith.addi %add3A_166, %add3A_214 : i32
        %sub3A_216 = arith.constant 1 : i32
        %sub3A_217 = arith.subi %add3A_215, %sub3A_216 : i32
        %dma_start3A_218 = arith.constant 0 : i32
        %dma_start3A_219 = arith.constant 0 : i32
        %dma_start3A_220 = tpu.memref_slice %arg6[%rem3A_172, %dma_start3A_218, %dma_start3A_219] : memref<5x128x128xf32, #tpu.memory_space<vmem>> -> memref<1x128x128xf32, #tpu.memory_space<vmem>>
        %dma_start3A_221 = tpu.memref_squeeze %dma_start3A_220 : memref<1x128x128xf32, #tpu.memory_space<vmem>> -> memref<128x128xf32, #tpu.memory_space<vmem>>
        %dma_start3A_222 = arith.constant 0 : i32
        %dma_start3A_223 = tpu.memref_slice %arg5[%sub3A_217, %dma_start3A_222] : memref<50x128xi32, #tpu.memory_space<vmem>> -> memref<1x128xi32, #tpu.memory_space<vmem>>
        %dma_start3A_224 = tpu.memref_squeeze %dma_start3A_223 : memref<1x128xi32, #tpu.memory_space<vmem>> -> memref<128xi32, #tpu.memory_space<vmem>>
        %dma_start3A_225 = arith.constant 0 : i32
        %dma_start3A_226 = arith.constant 0 : i32
        %dma_start3A_227 = tpu.memref_slice %arg7[%dma_start3A_225, %dma_start3A_226] : memref<1000x128xf32, #tpu.memory_space<vmem_shared>> -> memref<1000x128xf32, #tpu.memory_space<vmem_shared>>
        %dma_start3A_228 = tpu.memref_slice %arg8[%rem3A_172] : memref<5x!tpu.dma_semaphore, #tpu.memory_space<semaphore_mem>> -> memref<1x!tpu.dma_semaphore, #tpu.memory_space<semaphore_mem>>
        %dma_start3A_229 = tpu.memref_squeeze %dma_start3A_228 : memref<1x!tpu.dma_semaphore, #tpu.memory_space<semaphore_mem>> -> memref<!tpu.dma_semaphore, #tpu.memory_space<semaphore_mem>>
        tpu.enqueue_indirect_dma source(%dma_start3A_227 : memref<1000x128xf32, #tpu.memory_space<vmem_shared>>) target(%dma_start3A_221 : memref<128x128xf32, #tpu.memory_space<vmem>>) offsets(%dma_start3A_224 : memref<128xi32, #tpu.memory_space<vmem>>) semaphore(%dma_start3A_229 : memref<!tpu.dma_semaphore, #tpu.memory_space<semaphore_mem>>)
      } else {
      }
      %dma_wait3A_185 = arith.constant 0 : i32
      %dma_wait3A_186 = arith.constant 0 : i32
      %dma_wait3A_187 = arith.constant 0 : i32
      %dma_wait3A_188 = tpu.memref_slice %arg6[%rem3A_167, %dma_wait3A_186, %dma_wait3A_187] : memref<5x128x128xf32, #tpu.memory_space<vmem>> -> memref<1x128x128xf32, #tpu.memory_space<vmem>>
      %dma_wait3A_189 = tpu.memref_squeeze %dma_wait3A_188 : memref<1x128x128xf32, #tpu.memory_space<vmem>> -> memref<128x128xf32, #tpu.memory_space<vmem>>
      %dma_wait3A_190 = arith.constant 0 : i32
      %dma_wait3A_191 = tpu.memref_slice %arg5[%dma_wait3A_185, %dma_wait3A_190] : memref<50x128xi32, #tpu.memory_space<vmem>> -> memref<1x128xi32, #tpu.memory_space<vmem>>
      %dma_wait3A_192 = tpu.memref_squeeze %dma_wait3A_191 : memref<1x128xi32, #tpu.memory_space<vmem>> -> memref<128xi32, #tpu.memory_space<vmem>>
      %dma_wait3A_193 = arith.constant 0 : i32
      %dma_wait3A_194 = arith.constant 0 : i32
      %dma_wait3A_195 = tpu.memref_slice %arg7[%dma_wait3A_193, %dma_wait3A_194] : memref<1000x128xf32, #tpu.memory_space<vmem_shared>> -> memref<1000x128xf32, #tpu.memory_space<vmem_shared>>
      %dma_wait3A_196 = tpu.memref_slice %arg8[%rem3A_167] : memref<5x!tpu.dma_semaphore, #tpu.memory_space<semaphore_mem>> -> memref<1x!tpu.dma_semaphore, #tpu.memory_space<semaphore_mem>>
      %dma_wait3A_197 = tpu.memref_squeeze %dma_wait3A_196 : memref<1x!tpu.dma_semaphore, #tpu.memory_space<semaphore_mem>> -> memref<!tpu.dma_semaphore, #tpu.memory_space<semaphore_mem>>
      tpu.wait_indirect_dma semaphore(%dma_wait3A_197 : memref<!tpu.dma_semaphore, #tpu.memory_space<semaphore_mem>>) src(%dma_wait3A_195 : memref<1000x128xf32, #tpu.memory_space<vmem_shared>>) dst(%dma_wait3A_189 : memref<128x128xf32, #tpu.memory_space<vmem>>)
      %dma_start3A_198 = arith.constant 0 : i32
      %dma_start3A_199 = arith.constant 0 : i32
      %dma_start3A_200 = tpu.memref_slice %arg6[%rem3A_167, %dma_start3A_198, %dma_start3A_199] : memref<5x128x128xf32, #tpu.memory_space<vmem>> -> memref<1x128x128xf32, #tpu.memory_space<vmem>>
      %dma_start3A_201 = tpu.memref_squeeze %dma_start3A_200 : memref<1x128x128xf32, #tpu.memory_space<vmem>> -> memref<128x128xf32, #tpu.memory_space<vmem>>
      %dma_start3A_202 = arith.constant 0 : i32
      %dma_start3A_203 = tpu.memref_slice %arg4[%add3A_166, %multiple_of3A, %dma_start3A_202] : memref<50x4096x128xf32, #tpu.memory_space<hbm>> -> memref<1x128x128xf32, #tpu.memory_space<hbm>>
      %dma_start3A_204 = tpu.memref_squeeze %dma_start3A_203 : memref<1x128x128xf32, #tpu.memory_space<hbm>> -> memref<128x128xf32, #tpu.memory_space<hbm>>
      %dma_start3A_205 = tpu.memref_slice %arg9[%rem3A_167] : memref<5x!tpu.dma_semaphore, #tpu.memory_space<semaphore_mem>> -> memref<1x!tpu.dma_semaphore, #tpu.memory_space<semaphore_mem>>
      %dma_start3A_206 = tpu.memref_squeeze %dma_start3A_205 : memref<1x!tpu.dma_semaphore, #tpu.memory_space<semaphore_mem>> -> memref<!tpu.dma_semaphore, #tpu.memory_space<semaphore_mem>>
      %dma_start3A_207 = arith.constant 0 : i32
      %dma_start3A_208 = tpu.memref_slice %arg4[%add3A_166, %multiple_of3A, %dma_start3A_207] : memref<50x4096x128xf32, #tpu.memory_space<hbm>> -> memref<1x128x128xf32, #tpu.memory_space<hbm>>
      %dma_start3A_209 = tpu.memref_squeeze %dma_start3A_208 : memref<1x128x128xf32, #tpu.memory_space<hbm>> -> memref<128x128xf32, #tpu.memory_space<hbm>>
      %dma_start3A_210 = arith.constant 0 : i32
      %dma_start3A_211 = arith.constant 0 : i32
      %dma_start3A_212 = tpu.memref_slice %arg6[%rem3A_167, %dma_start3A_210, %dma_start3A_211] : memref<5x128x128xf32, #tpu.memory_space<vmem>> -> memref<1x128x128xf32, #tpu.memory_space<vmem>>
      %dma_start3A_213 = tpu.memref_squeeze %dma_start3A_212 : memref<1x128x128xf32, #tpu.memory_space<vmem>> -> memref<128x128xf32, #tpu.memory_space<vmem>>
      tpu.enqueue_dma source(%dma_start3A_213 : memref<128x128xf32, #tpu.memory_space<vmem>>) target(%dma_start3A_209 : memref<128x128xf32, #tpu.memory_space<hbm>>) target_semaphore(%dma_start3A_206 : memref<!tpu.dma_semaphore, #tpu.memory_space<semaphore_mem>>)
    }
    %scan3A_67 = arith.constant 50 : i32
    %dma_wait3A = arith.constant 0 : i32
    %dma_wait3A_68 = arith.constant 0 : i32
    %dma_wait3A_69 = arith.constant 0 : i32
    %dma_wait3A_70 = arith.constant 0 : i32
    %dma_wait3A_71 = arith.constant 0 : i32
    %dma_wait3A_72 = tpu.memref_slice %arg6[%dma_wait3A, %dma_wait3A_70, %dma_wait3A_71] : memref<5x128x128xf32, #tpu.memory_space<vmem>> -> memref<1x128x128xf32, #tpu.memory_space<vmem>>
    %dma_wait3A_73 = tpu.memref_squeeze %dma_wait3A_72 : memref<1x128x128xf32, #tpu.memory_space<vmem>> -> memref<128x128xf32, #tpu.memory_space<vmem>>
    %dma_wait3A_74 = arith.constant 0 : i32
    %dma_wait3A_75 = tpu.memref_slice %arg4[%dma_wait3A_68, %multiple_of3A, %dma_wait3A_74] : memref<50x4096x128xf32, #tpu.memory_space<hbm>> -> memref<1x128x128xf32, #tpu.memory_space<hbm>>
    %dma_wait3A_76 = tpu.memref_squeeze %dma_wait3A_75 : memref<1x128x128xf32, #tpu.memory_space<hbm>> -> memref<128x128xf32, #tpu.memory_space<hbm>>
    %dma_wait3A_77 = tpu.memref_slice %arg9[%dma_wait3A_69] : memref<5x!tpu.dma_semaphore, #tpu.memory_space<semaphore_mem>> -> memref<1x!tpu.dma_semaphore, #tpu.memory_space<semaphore_mem>>
    %dma_wait3A_78 = tpu.memref_squeeze %dma_wait3A_77 : memref<1x!tpu.dma_semaphore, #tpu.memory_space<semaphore_mem>> -> memref<!tpu.dma_semaphore, #tpu.memory_space<semaphore_mem>>
    %dma_wait3A_79 = arith.constant 0 : i32
    %dma_wait3A_80 = tpu.memref_slice %arg4[%dma_wait3A_68, %multiple_of3A, %dma_wait3A_79] : memref<50x4096x128xf32, #tpu.memory_space<hbm>> -> memref<1x128x128xf32, #tpu.memory_space<hbm>>
    %dma_wait3A_81 = tpu.memref_squeeze %dma_wait3A_80 : memref<1x128x128xf32, #tpu.memory_space<hbm>> -> memref<128x128xf32, #tpu.memory_space<hbm>>
    %dma_wait3A_82 = arith.constant 0 : i32
    %dma_wait3A_83 = arith.constant 0 : i32
    %dma_wait3A_84 = tpu.memref_slice %arg6[%dma_wait3A, %dma_wait3A_82, %dma_wait3A_83] : memref<5x128x128xf32, #tpu.memory_space<vmem>> -> memref<1x128x128xf32, #tpu.memory_space<vmem>>
    %dma_wait3A_85 = tpu.memref_squeeze %dma_wait3A_84 : memref<1x128x128xf32, #tpu.memory_space<vmem>> -> memref<128x128xf32, #tpu.memory_space<vmem>>
    tpu.wait_dma2 semaphore(%dma_wait3A_78 : memref<!tpu.dma_semaphore, #tpu.memory_space<semaphore_mem>>) src(%dma_wait3A_85 : memref<128x128xf32, #tpu.memory_space<vmem>>) dst(%dma_wait3A_81 : memref<128x128xf32, #tpu.memory_space<hbm>>)
    %dma_wait3A_86 = arith.constant 1 : i32
    %dma_wait3A_87 = arith.constant 0 : i32
    %dma_wait3A_88 = arith.constant 1 : i32
    %dma_wait3A_89 = arith.constant 0 : i32
    %dma_wait3A_90 = arith.constant 0 : i32
    %dma_wait3A_91 = tpu.memref_slice %arg6[%dma_wait3A_86, %dma_wait3A_89, %dma_wait3A_90] : memref<5x128x128xf32, #tpu.memory_space<vmem>> -> memref<1x128x128xf32, #tpu.memory_space<vmem>>
    %dma_wait3A_92 = tpu.memref_squeeze %dma_wait3A_91 : memref<1x128x128xf32, #tpu.memory_space<vmem>> -> memref<128x128xf32, #tpu.memory_space<vmem>>
    %dma_wait3A_93 = arith.constant 0 : i32
    %dma_wait3A_94 = tpu.memref_slice %arg4[%dma_wait3A_87, %multiple_of3A, %dma_wait3A_93] : memref<50x4096x128xf32, #tpu.memory_space<hbm>> -> memref<1x128x128xf32, #tpu.memory_space<hbm>>
    %dma_wait3A_95 = tpu.memref_squeeze %dma_wait3A_94 : memref<1x128x128xf32, #tpu.memory_space<hbm>> -> memref<128x128xf32, #tpu.memory_space<hbm>>
    %dma_wait3A_96 = tpu.memref_slice %arg9[%dma_wait3A_88] : memref<5x!tpu.dma_semaphore, #tpu.memory_space<semaphore_mem>> -> memref<1x!tpu.dma_semaphore, #tpu.memory_space<semaphore_mem>>
    %dma_wait3A_97 = tpu.memref_squeeze %dma_wait3A_96 : memref<1x!tpu.dma_semaphore, #tpu.memory_space<semaphore_mem>> -> memref<!tpu.dma_semaphore, #tpu.memory_space<semaphore_mem>>
    %dma_wait3A_98 = arith.constant 0 : i32
    %dma_wait3A_99 = tpu.memref_slice %arg4[%dma_wait3A_87, %multiple_of3A, %dma_wait3A_98] : memref<50x4096x128xf32, #tpu.memory_space<hbm>> -> memref<1x128x128xf32, #tpu.memory_space<hbm>>
    %dma_wait3A_100 = tpu.memref_squeeze %dma_wait3A_99 : memref<1x128x128xf32, #tpu.memory_space<hbm>> -> memref<128x128xf32, #tpu.memory_space<hbm>>
    %dma_wait3A_101 = arith.constant 0 : i32
    %dma_wait3A_102 = arith.constant 0 : i32
    %dma_wait3A_103 = tpu.memref_slice %arg6[%dma_wait3A_86, %dma_wait3A_101, %dma_wait3A_102] : memref<5x128x128xf32, #tpu.memory_space<vmem>> -> memref<1x128x128xf32, #tpu.memory_space<vmem>>
    %dma_wait3A_104 = tpu.memref_squeeze %dma_wait3A_103 : memref<1x128x128xf32, #tpu.memory_space<vmem>> -> memref<128x128xf32, #tpu.memory_space<vmem>>
    tpu.wait_dma2 semaphore(%dma_wait3A_97 : memref<!tpu.dma_semaphore, #tpu.memory_space<semaphore_mem>>) src(%dma_wait3A_104 : memref<128x128xf32, #tpu.memory_space<vmem>>) dst(%dma_wait3A_100 : memref<128x128xf32, #tpu.memory_space<hbm>>)
    %dma_wait3A_105 = arith.constant 2 : i32
    %dma_wait3A_106 = arith.constant 0 : i32
    %dma_wait3A_107 = arith.constant 2 : i32
    %dma_wait3A_108 = arith.constant 0 : i32
    %dma_wait3A_109 = arith.constant 0 : i32
    %dma_wait3A_110 = tpu.memref_slice %arg6[%dma_wait3A_105, %dma_wait3A_108, %dma_wait3A_109] : memref<5x128x128xf32, #tpu.memory_space<vmem>> -> memref<1x128x128xf32, #tpu.memory_space<vmem>>
    %dma_wait3A_111 = tpu.memref_squeeze %dma_wait3A_110 : memref<1x128x128xf32, #tpu.memory_space<vmem>> -> memref<128x128xf32, #tpu.memory_space<vmem>>
    %dma_wait3A_112 = arith.constant 0 : i32
    %dma_wait3A_113 = tpu.memref_slice %arg4[%dma_wait3A_106, %multiple_of3A, %dma_wait3A_112] : memref<50x4096x128xf32, #tpu.memory_space<hbm>> -> memref<1x128x128xf32, #tpu.memory_space<hbm>>
    %dma_wait3A_114 = tpu.memref_squeeze %dma_wait3A_113 : memref<1x128x128xf32, #tpu.memory_space<hbm>> -> memref<128x128xf32, #tpu.memory_space<hbm>>
    %dma_wait3A_115 = tpu.memref_slice %arg9[%dma_wait3A_107] : memref<5x!tpu.dma_semaphore, #tpu.memory_space<semaphore_mem>> -> memref<1x!tpu.dma_semaphore, #tpu.memory_space<semaphore_mem>>
    %dma_wait3A_116 = tpu.memref_squeeze %dma_wait3A_115 : memref<1x!tpu.dma_semaphore, #tpu.memory_space<semaphore_mem>> -> memref<!tpu.dma_semaphore, #tpu.memory_space<semaphore_mem>>
    %dma_wait3A_117 = arith.constant 0 : i32
    %dma_wait3A_118 = tpu.memref_slice %arg4[%dma_wait3A_106, %multiple_of3A, %dma_wait3A_117] : memref<50x4096x128xf32, #tpu.memory_space<hbm>> -> memref<1x128x128xf32, #tpu.memory_space<hbm>>
    %dma_wait3A_119 = tpu.memref_squeeze %dma_wait3A_118 : memref<1x128x128xf32, #tpu.memory_space<hbm>> -> memref<128x128xf32, #tpu.memory_space<hbm>>
    %dma_wait3A_120 = arith.constant 0 : i32
    %dma_wait3A_121 = arith.constant 0 : i32
    %dma_wait3A_122 = tpu.memref_slice %arg6[%dma_wait3A_105, %dma_wait3A_120, %dma_wait3A_121] : memref<5x128x128xf32, #tpu.memory_space<vmem>> -> memref<1x128x128xf32, #tpu.memory_space<vmem>>
    %dma_wait3A_123 = tpu.memref_squeeze %dma_wait3A_122 : memref<1x128x128xf32, #tpu.memory_space<vmem>> -> memref<128x128xf32, #tpu.memory_space<vmem>>
    tpu.wait_dma2 semaphore(%dma_wait3A_116 : memref<!tpu.dma_semaphore, #tpu.memory_space<semaphore_mem>>) src(%dma_wait3A_123 : memref<128x128xf32, #tpu.memory_space<vmem>>) dst(%dma_wait3A_119 : memref<128x128xf32, #tpu.memory_space<hbm>>)
    %dma_wait3A_124 = arith.constant 3 : i32
    %dma_wait3A_125 = arith.constant 0 : i32
    %dma_wait3A_126 = arith.constant 3 : i32
    %dma_wait3A_127 = arith.constant 0 : i32
    %dma_wait3A_128 = arith.constant 0 : i32
    %dma_wait3A_129 = tpu.memref_slice %arg6[%dma_wait3A_124, %dma_wait3A_127, %dma_wait3A_128] : memref<5x128x128xf32, #tpu.memory_space<vmem>> -> memref<1x128x128xf32, #tpu.memory_space<vmem>>
    %dma_wait3A_130 = tpu.memref_squeeze %dma_wait3A_129 : memref<1x128x128xf32, #tpu.memory_space<vmem>> -> memref<128x128xf32, #tpu.memory_space<vmem>>
    %dma_wait3A_131 = arith.constant 0 : i32
    %dma_wait3A_132 = tpu.memref_slice %arg4[%dma_wait3A_125, %multiple_of3A, %dma_wait3A_131] : memref<50x4096x128xf32, #tpu.memory_space<hbm>> -> memref<1x128x128xf32, #tpu.memory_space<hbm>>
    %dma_wait3A_133 = tpu.memref_squeeze %dma_wait3A_132 : memref<1x128x128xf32, #tpu.memory_space<hbm>> -> memref<128x128xf32, #tpu.memory_space<hbm>>
    %dma_wait3A_134 = tpu.memref_slice %arg9[%dma_wait3A_126] : memref<5x!tpu.dma_semaphore, #tpu.memory_space<semaphore_mem>> -> memref<1x!tpu.dma_semaphore, #tpu.memory_space<semaphore_mem>>
    %dma_wait3A_135 = tpu.memref_squeeze %dma_wait3A_134 : memref<1x!tpu.dma_semaphore, #tpu.memory_space<semaphore_mem>> -> memref<!tpu.dma_semaphore, #tpu.memory_space<semaphore_mem>>
    %dma_wait3A_136 = arith.constant 0 : i32
    %dma_wait3A_137 = tpu.memref_slice %arg4[%dma_wait3A_125, %multiple_of3A, %dma_wait3A_136] : memref<50x4096x128xf32, #tpu.memory_space<hbm>> -> memref<1x128x128xf32, #tpu.memory_space<hbm>>
    %dma_wait3A_138 = tpu.memref_squeeze %dma_wait3A_137 : memref<1x128x128xf32, #tpu.memory_space<hbm>> -> memref<128x128xf32, #tpu.memory_space<hbm>>
    %dma_wait3A_139 = arith.constant 0 : i32
    %dma_wait3A_140 = arith.constant 0 : i32
    %dma_wait3A_141 = tpu.memref_slice %arg6[%dma_wait3A_124, %dma_wait3A_139, %dma_wait3A_140] : memref<5x128x128xf32, #tpu.memory_space<vmem>> -> memref<1x128x128xf32, #tpu.memory_space<vmem>>
    %dma_wait3A_142 = tpu.memref_squeeze %dma_wait3A_141 : memref<1x128x128xf32, #tpu.memory_space<vmem>> -> memref<128x128xf32, #tpu.memory_space<vmem>>
    tpu.wait_dma2 semaphore(%dma_wait3A_135 : memref<!tpu.dma_semaphore, #tpu.memory_space<semaphore_mem>>) src(%dma_wait3A_142 : memref<128x128xf32, #tpu.memory_space<vmem>>) dst(%dma_wait3A_138 : memref<128x128xf32, #tpu.memory_space<hbm>>)
    %dma_wait3A_143 = arith.constant 4 : i32
    %dma_wait3A_144 = arith.constant 0 : i32
    %dma_wait3A_145 = arith.constant 4 : i32
    %dma_wait3A_146 = arith.constant 0 : i32
    %dma_wait3A_147 = arith.constant 0 : i32
    %dma_wait3A_148 = tpu.memref_slice %arg6[%dma_wait3A_143, %dma_wait3A_146, %dma_wait3A_147] : memref<5x128x128xf32, #tpu.memory_space<vmem>> -> memref<1x128x128xf32, #tpu.memory_space<vmem>>
    %dma_wait3A_149 = tpu.memref_squeeze %dma_wait3A_148 : memref<1x128x128xf32, #tpu.memory_space<vmem>> -> memref<128x128xf32, #tpu.memory_space<vmem>>
    %dma_wait3A_150 = arith.constant 0 : i32
    %dma_wait3A_151 = tpu.memref_slice %arg4[%dma_wait3A_144, %multiple_of3A, %dma_wait3A_150] : memref<50x4096x128xf32, #tpu.memory_space<hbm>> -> memref<1x128x128xf32, #tpu.memory_space<hbm>>
    %dma_wait3A_152 = tpu.memref_squeeze %dma_wait3A_151 : memref<1x128x128xf32, #tpu.memory_space<hbm>> -> memref<128x128xf32, #tpu.memory_space<hbm>>
    %dma_wait3A_153 = tpu.memref_slice %arg9[%dma_wait3A_145] : memref<5x!tpu.dma_semaphore, #tpu.memory_space<semaphore_mem>> -> memref<1x!tpu.dma_semaphore, #tpu.memory_space<semaphore_mem>>
    %dma_wait3A_154 = tpu.memref_squeeze %dma_wait3A_153 : memref<1x!tpu.dma_semaphore, #tpu.memory_space<semaphore_mem>> -> memref<!tpu.dma_semaphore, #tpu.memory_space<semaphore_mem>>
    %dma_wait3A_155 = arith.constant 0 : i32
    %dma_wait3A_156 = tpu.memref_slice %arg4[%dma_wait3A_144, %multiple_of3A, %dma_wait3A_155] : memref<50x4096x128xf32, #tpu.memory_space<hbm>> -> memref<1x128x128xf32, #tpu.memory_space<hbm>>
    %dma_wait3A_157 = tpu.memref_squeeze %dma_wait3A_156 : memref<1x128x128xf32, #tpu.memory_space<hbm>> -> memref<128x128xf32, #tpu.memory_space<hbm>>
    %dma_wait3A_158 = arith.constant 0 : i32
    %dma_wait3A_159 = arith.constant 0 : i32
    %dma_wait3A_160 = tpu.memref_slice %arg6[%dma_wait3A_143, %dma_wait3A_158, %dma_wait3A_159] : memref<5x128x128xf32, #tpu.memory_space<vmem>> -> memref<1x128x128xf32, #tpu.memory_space<vmem>>
    %dma_wait3A_161 = tpu.memref_squeeze %dma_wait3A_160 : memref<1x128x128xf32, #tpu.memory_space<vmem>> -> memref<128x128xf32, #tpu.memory_space<vmem>>
    tpu.wait_dma2 semaphore(%dma_wait3A_154 : memref<!tpu.dma_semaphore, #tpu.memory_space<semaphore_mem>>) src(%dma_wait3A_161 : memref<128x128xf32, #tpu.memory_space<vmem>>) dst(%dma_wait3A_157 : memref<128x128xf32, #tpu.memory_space<hbm>>)
    return
  }
}

</mosaic_0001>

<sc_bundles>
// kernel: kernel.3.cloned.1.call-start
scs
__scs_entry_jumppad:
0x0: {  	(pc) =	sbr.rel $0x88, $3  }
0x1: {  	(tag) =	ssettag $0x0;
	lr =	simm.s32 $0x1  }
0x2: {  	[smem:$0x3F9F] =	sst lr;
	_ =	strace $0xD0000000  }
0x3: {  	_ = 	snop  }
0x4: {  	_ = 	snop  }
0x5: {  	_ = 	snop  }
0x6: {  	_ = 	snop  }
0x7: {  	_ = 	snop  }
__scs_overlays_trampoline_lowered:
0x8: {  	[smem:$0x3FAE] =	sst s0  }
0x9: {  	[smem:$0x3FAF] =	sst s1  }
0xa: {  	[smem:$0x3FB0] =	sst s2  }
0xb: {  	[smem:$0x3FB1] =	sst s3  }
0xc: {  	[smem:$0x3FB2] =	sst s4  }
0xd: {  	[smem:$0x3FB3] =	sst s5  }
0xe: {  	[smem:$0x3FB4] =	sst s6  }
0xf: {  	[smem:$0x3FB5] =	sst s7  }
0x10: {  	[smem:$0x3FB6] =	sst s8  }
0x11: {  	[smem:$0x3FB7] =	sst s9;
	s0 =	simm.s32 @!p0 $0x0  }
0x12: {  	s1 =	sld [smem:$0x3F9D];
	s0 =	simm.s32 @p0 $0x1  }
0x13: {  	[smem:$0x3FB8] =	sst s0;
	s0 =	simm.s32 @!p1 $0x0  }
0x14: {  	s2 =	sld [smem:$0x3F9C];
	s0 =	simm.s32 @p1 $0x1  }
0x15: {  	[smem:$0x3FB9] =	sst s0;
	s0 =	simm.s32 @!p2 $0x0  }
0x16: {  	s3 =	sld [smem:$0x3FDB];
	s0 =	simm.s32 @p2 $0x1  }
0x17: {  	s4 =	simm.s32 $0x1BF5;
	[smem:$0x3FBB] =	sst s0  }
0x18: {  	s0 =	sld [smem:$0x3F9E];
	_ =	swait.ge [sflag:s4], $0x0  }
0x19: {  	s7 =	sld [smem:$0x3F9F]  }
0x1a: {  	s8 =	sadd.s32 $0xFFFFE003, lr  }
0x1b: {  	s9 =	sadd.s32 $0xFFFFFEF7, lr;
	s5 =	simm.s32 $0xFFFFFFFF;
	p2 =	slt.u32 s8, $0xFFFFF086  }
0x1c: {  	p1 =	slt.u32 s9, $0xF7A;
	s5 =	simm.s32 @!p2 $0x0  }
0x1d: {  	s5 =	simm.s32 @p1 $0x1;
	p0 =	seq.s32 s7, s2  }
0x1e: {  	s7 =	smul.u32 @!p0 $0xF7A, s2;
	p2 =	seq.s32 @!p0 s5, $0x0  }
0x1f: {  	s9 =	smul.u32 $0xF7A, s1;
	s8 =	simm.s32 @!p0 $0x1BF5;
	p2 =	por !p2, p0  }
0x20: {  	[sflag:s8] =	ssyncset.s32 @!p0 $0xFFFFF086;
	s6 =	sadd.s32 @!p0 s3, s7;
	s7 =	simm.s32 @!p0 $0x108  }
0x21: {  	s3 =	sadd.s32 s3, s9;
	s6 =	sadd.s32 @!p0 $0x88, s6;
	s7 =	simm.s32 @p2 $0x1082  }
0x22: {  	[simem:s7], [sflag:s8] =	dma.local @!p0 [hbm:s6], $0xF7A  }
0x23: {  	s9 =	sor.u32 $0xD0000000, s2;
	s6 =	simm.s32 $0x108;
	_ =	swait.ge @!p0 [sflag:s8], $0x0  }
0x24: {  	s3 =	sadd.s32 $0x88, s3;
	s6 =	simm.s32 @!p1 $0x1082;
	[sflag:s4] =	ssyncset.s32 $0xFFFFF086  }
0x25: {  	[simem:s6], [sflag:s4] =	dma.local [hbm:s3], $0xF7A  }
0x26: {  	[smem:$0x3F9F] =	sst s1;
	(tag) =	ssettag s2;
	_ =	strace s9  }
0x27: {  	s1 =	sld [smem:$0x3FAF]  }
0x28: {  	s2 =	sld [smem:$0x3FB0]  }
0x29: {  	s4 =	sld [smem:$0x3FB2]  }
0x2a: {  	p0 =	seq.s32 s5, $0x0;
	s5 =	sld [smem:$0x3FB3]  }
0x2b: {  	s6 =	sld [smem:$0x3FB4]  }
0x2c: {  	s7 =	sld [smem:$0x3FB5]  }
0x2d: {  	s3 =	simm.s32 $0x108;
	s8 =	sld [smem:$0x3FB6]  }
0x2e: {  	s3 =	simm.s32 @!p0 $0x1082;
	s9 =	sld [smem:$0x3FB7]  }
0x2f: {  	lr =	sadd.s32 s0, s3;
	s0 =	sld [smem:$0x3FAE]  }
0x30: {  	s3 =	sld [smem:$0x3FB1]  }
0x31: {  	[smem:$0x3FBA] =	sst s10  }
0x32: {  	s10 =	sld [smem:$0x3FB8];
	_ =	sdelay $0x3  }
0x33: {  	p0 =	seq.s32 s10, $0x1;
	s10 =	sld [smem:$0x3FBA];
	_ =	sdelay $0x3  }
0x34: {  	[smem:$0x3FBA] =	sst s10  }
0x35: {  	s10 =	sld [smem:$0x3FB9];
	_ =	sdelay $0x3  }
0x36: {  	p1 =	seq.s32 s10, $0x1;
	s10 =	sld [smem:$0x3FBA];
	_ =	sdelay $0x3  }
0x37: {  	[smem:$0x3FBA] =	sst s10  }
0x38: {  	s10 =	sld [smem:$0x3FBB]  }
0x39: {  	_ = 	snop;
	(pc) =	sbr.ind lr, $3  }
0x3a: {  	_ = 	snop  }
0x3b: {  	_ = 	snop  }
0x3c: {  	p2 =	seq.s32 s10, $0x1;
	s10 =	sld [smem:$0x3FBA]  }
0x3d: {  	_ =	shalt  }
0x3e: {  	_ =	shalt  }
0x3f: {  	_ =	shalt  }
0x40: {  	_ =	shalt  }
0x41: {  	_ =	shalt  }
0x42: {  	_ =	shalt  }
0x43: {  	_ =	shalt  }
0x44: {  	_ =	shalt  }
0x45: {  	_ =	shalt  }
0x46: {  	_ =	shalt  }
0x47: {  	_ =	shalt  }
0x48: {  	_ =	shalt  }
0x49: {  	_ =	shalt  }
0x4a: {  	_ =	shalt  }
0x4b: {  	_ =	shalt  }
0x4c: {  	_ =	shalt  }
0x4d: {  	_ =	shalt  }
0x4e: {  	_ =	shalt  }
0x4f: {  	_ =	shalt  }
0x50: {  	_ =	shalt  }
0x51: {  	_ =	shalt  }
0x52: {  	_ =	shalt  }
0x53: {  	_ =	shalt  }
0x54: {  	_ =	shalt  }
0x55: {  	_ =	shalt  }
0x56: {  	_ =	shalt  }
0x57: {  	_ =	shalt  }
0x58: {  	_ =	shalt  }
0x59: {  	_ =	shalt  }
0x5a: {  	_ =	shalt  }
0x5b: {  	_ =	shalt  }
0x5c: {  	_ =	shalt  }
0x5d: {  	_ =	shalt  }
0x5e: {  	_ =	shalt  }
0x5f: {  	_ =	shalt  }
0x60: {  	_ =	shalt  }
0x61: {  	_ =	shalt  }
0x62: {  	_ =	shalt  }
0x63: {  	_ =	shalt  }
0x64: {  	_ =	shalt  }
0x65: {  	_ =	shalt  }
0x66: {  	_ =	shalt  }
0x67: {  	_ =	shalt  }
0x68: {  	_ =	shalt  }
0x69: {  	_ =	shalt  }
0x6a: {  	_ =	shalt  }
0x6b: {  	_ =	shalt  }
0x6c: {  	_ =	shalt  }
0x6d: {  	_ =	shalt  }
0x6e: {  	_ =	shalt  }
0x6f: {  	_ =	shalt  }
0x70: {  	_ =	shalt  }
0x71: {  	_ =	shalt  }
0x72: {  	_ =	shalt  }
0x73: {  	_ =	shalt  }
0x74: {  	_ =	shalt  }
0x75: {  	_ =	shalt  }
0x76: {  	_ =	shalt  }
0x77: {  	_ =	shalt  }
0x78: {  	_ =	shalt  }
0x79: {  	_ =	shalt  }
0x7a: {  	_ =	shalt  }
0x7b: {  	_ =	shalt  }
0x7c: {  	_ =	shalt  }
0x7d: {  	_ =	shalt  }
0x7e: {  	_ =	shalt  }
0x7f: {  	_ =	shalt  }
0x80: {  	_ =	shalt  }
0x81: {  	_ =	shalt  }
0x82: {  	_ =	shalt  }
0x83: {  	_ =	shalt  }
0x84: {  	_ =	shalt  }
0x85: {  	_ =	shalt  }
0x86: {  	_ =	shalt  }
0x87: {  	_ =	shalt  }
.Lfunc_end0:
.L_simem_size_0:
called_computation_lowered:
.L_overlay_start_0:
0x88: {  	s2 =	sld [smem:$0x3FD9]  }
0x89: {  	s3 =	sld [smem:$0x3FFE];
	_ =	sdelay $0x1  }
0x8a: {  	s1 =	srdreg.scid  }
0x8b: {  	s0 =	sand.u32 $0x1, s1  }
0x8c: {  	s17 =	sshll.u32 s0, $0xA;
	s2 =	sadd.s32 s3, s2  }
0x8d: {  	s2 =	sadd.s32 s2, s17  }
0x8e: {  	[smem:$0x3FC6] =	sst s2  }
0x8f: {  	_ = 	snop  }
0x90: {  	s2 =	sld [smem:$0x3FC8]  }
0x91: {  	s18 =	sld [smem:$0x3FD0];
	(tm) =	ssettm $0x1  }
0x92: {  	s4 =	sld [smem:$0x3FFB];
	_ =	sdelay $0x3  }
0x93: {  	_ =	strace s4  }
0x94: {  	s4 =	sld [smem:$0x3FFC];
	_ =	sdelay $0x3  }
0x95: {  	_ =	strace s4  }
0x96: {  	s4 =	sld [smem:$0x3FFD];
	_ =	sdelay $0x3  }
0x97: {  	_ =	strace s4  }
0x98: {  	_ =	strace $0x8FFFFFFF  }
0x99: {  	s19 =	sld [smem:$0x3FDB];
	_ =	sdelay $0x1  }
0x9a: {  	s5 =	simm.s32 $_scs_section_size  }
0x9b: {  	s6 =	simm.s32 $_size__tile_overlayer_lowered;
	s7 =	simm.s32 $_tile_overlayer_lowered  }
0x9c: {  	s22 =	simm.s32 $0x1BFF;
	s21 =	sshll.u32 s7, $0x1;
	s4 =	sadd.s32 s5, s19  }
0x9d: {  	s8 =	simm.s32 $0x0;
	s20 =	sshll.u32 s6, $0x1;
	s6 =	sadd.s32 s21, s4  }
0x9e: {  	[timem:s8], [sflag:s22] =	dma.local [hbm:s6], s20  }
0x9f: {  	_ =	swait.ge [sflag:s22], s20  }
0xa0: {  	s5 =	ssub.s32 $0x0, s20;
	[sflag:s22] =	ssyncset.done $0x0  }
0xa1: {  	[sflag:s22] =	ssyncadd.s32 s5;
	_ =	sdelay $0x1  }
0xa2: {  	s23 =	simm.s32 $0x1B8B  }
0xa3: {  	_ =	swait.ge [sflag:s23], $0x1  }
0xa4: {  	[sflag:s23] =	ssyncset.done $0x0  }
0xa5: {  	s25 =	simm.s32 $0x1B8E;
	s24 =	sld [smem:$0x3FFE];
	[sflag:s23] =	ssyncadd.s32 $0xFFFFFFFF  }
0xa6: {  	s26 =	simm.s32 $execute0_lowered;
	[smem:$0x3FD2] =	sst s25  }
0xa7: {  	s6 =	sshll.u32 s26, $0x1;
	_ =	strace $0x80000046;
	[dreg:$0x1] =	wrdreg $0xFFFFFFFF  }
0xa8: {  	s28 =	simm.s32 $_size_execute0_lowered;
	s4 =	sadd.s32 s4, s6;
	[dreg:$0x0] =	wrdreg $0x0  }
0xa9: {  	s6 =	sshll.u32 s28, $0x1;
	[dreg:$0x2] =	wrdreg s4  }
0xaa: {  	[dreg:$0x3] =	wrdreg s6  }
0xab: {  	[dreg:$0x4] =	wrdreg $0xC0  }
0xac: {  	_ =	task [dreg:s8], $0x5FFFF  }
0xad: {  	[dreg:$0x1] =	wrdreg $0xFFFFFFFF  }
0xae: {  	[dreg:$0x0] =	wrdreg $0x60  }
0xaf: {  	[dreg:$0x2] =	wrdreg s2  }
0xb0: {  	[dreg:$0x3] =	wrdreg s24  }
0xb1: {  	[dreg:$0x4] =	wrdreg s18  }
0xb2: {  	[dreg:$0x5] =	wrdreg $0x15C000  }
0xb3: {  	[dreg:$0x6] =	wrdreg $0x9  }
0xb4: {  	_ =	task.clear_ibuf [dreg:s8], $0x7FFFF;
	_ =	strace $0x90000046  }
0xb5: {  	s29 =	simm.s32 $0x9;
	_ =	strace $0x80000048  }
0xb6: {  	_ =	swait.ge [sflag:s29], $0x1  }
0xb7: {  	[sflag:s29] =	ssyncadd.s32 $0xFFFFFFFF  }
0xb8: {  	_ =	strace $0x90000048  }
0xb9: {  	_ =	sfence  }
0xba: {  	s30 =	sld [smem:$0x0];
	_ =	sdelay $0x2  }
0xbb: {  	s31 =	sshll.u32 s1, $0xD;
	s1 =	sshrl.u32 s1, $0x2  }
0xbc: {  	s3 =	sand.u32 $0x4000, s31;
	s1 =	sadd.s32 s1, s30  }
0xbd: {  	s0 =	sor.u32 s3, s0;
	s1 =	sshll.u32 s1, $0x11  }
0xbe: {  	s0 =	sor.u32 s1, s0  }
0xbf: {  	s0 =	sadd.s32 $0x8F2B, s0  }
0xc0: {  	[sflag:s0] =	ssyncadd.remote.s32 $0x1  }
0xc1: {  	_ =	sfence.sel $0xFFFF  }
0xc2: {  	[dreg:$0x0] =	wrdreg $0xFFFFFFFF;
	(pc) =	sbr.abs _section_cstart, $3  }
0xc3: {  	[dreg:$0x1] =	wrdreg $0xFFFFFFFF  }
0xc4: {  	_ =	task.clear_ibuf [dreg:s8], $0x2FFFF;
	_ =	strace $0x9FFFFFFF  }
0xc5: {  	(tm) =	ssettm $0x7FFFFFFF  }
tec
execute0_lowered:
.L_overlay_start_1:
0x0: {  	(tag) =	ssettag $0x1  }
0x1: {  	s0 =	rddreg [dreg:$0x0]  }
0x2: {  	s4 =	rddreg [dreg:$0x1]  }
0x3: {  	s5 =	rddreg [dreg:$0x2]  }
0x4: {  	s1 =	srdreg.scid;
	s7 =	stileid.u32  }
0x5: {  	s2 =	rddreg [dreg:$0x3];
	s3 =	simm.s32 $0x0;
	s11 =	simm.s32 $0x5C00  }
0x6: {  	s12 =	simm.s32 $0x100;
	s13 =	simm.s32 $0x9C00;
	s14 =	simm.s32 $0x180  }
0x7: {  	s15 =	simm.s32 $0xDC00;
	s16 =	simm.s32 $0x6;
	s17 =	simm.s32 $0x7  }
0x8: {  	s18 =	simm.s32 $0x8;
	s19 =	simm.s32 $0x9;
	s20 =	simm.s32 $0xA  }
0x9: {  	s21 =	simm.s32 $0x0;
	s6 =	sand.u32 $0x1, s1;
	s1 =	rddreg [dreg:$0x4]  }
0xa: {  	s8 =	sshll.u32 s7, $0x1;
	[smem:$0x7FF] =	sst s3;
	s31 =	sshll.u32 s7, $0xC  }
0xb: {  	p0 =	sne.s32 s7, $0x0;
	s8 =	sor.u32 s6, s8;
	s9 =	ssub.s32 $0x2, s6  }
.Ltmp0:
0xc: {  	_ =	strace $0x80000047;
	s6 =	sshll.u32 s6, $0xB;
	(pc) =	sbr.rel .LBB2_1-.Ltmp0, $4  }
0xd: {  	s7 =	sshrl.u32 @!p0 s2, $0x3;
	s8 =	smul.u32 $0x380, s8;
	s10 =	sshrl.u32 s9, $0x1  }
0xe: {  	s30 =	ssub.s32 s9, s10;
	s9 =	sadd.s32 s31, s5;
	s10 =	simm.s32 $0x1C00  }
0xf: {  	s4 =	sadd.s32 s8, s4;
	s5 =	smax.u32 s30, $0x1;
	s6 =	sadd.s32 s6, s9  }
0x10: {  	s8 =	simm.s32 $0xB;
	s9 =	simm.s32 $0x80;
	s4 =	sadd.s32 $0x400, s4  }
.LBB2_7:
0x11: {  	_ =	swait.ge [sflag:s16], $0x4000  }
0x12: {  	[sflag:s16] =	ssyncset.done $0x0  }
0x13: {  	[sflag:s16] =	ssyncadd.s32 $0xFFFFC000  }
0x14: {  	_ =	swait.ge [sflag:s17], $0x4000  }
0x15: {  	[sflag:s17] =	ssyncset.done $0x0  }
0x16: {  	[sflag:s17] =	ssyncadd.s32 $0xFFFFC000  }
0x17: {  	_ =	swait.ge [sflag:s18], $0x4000  }
0x18: {  	[sflag:s18] =	ssyncset.done $0x0  }
0x19: {  	s21 =	sadd.s32 $0x1, s21;
	[sflag:s18] =	ssyncadd.s32 $0xFFFFC000  }
0x1a: {  	p1 =	sne.s32 s21, s5;
	_ =	swait.ge [sflag:s19], $0x4000  }
.Ltmp1:
0x1b: {  	[sflag:s19] =	ssyncset.done $0x0;
	(pc) =	sbr.rel @!p1 .LBB2_8-.Ltmp1, $4  }
0x1c: {  	[sflag:s19] =	ssyncadd.s32 $0xFFFFC000  }
0x1d: {  	_ =	swait.ge [sflag:s20], $0x4000  }
0x1e: {  	[sflag:s20] =	ssyncset.done $0x0  }
0x1f: {  	[sflag:s20] =	ssyncadd.s32 $0xFFFFC000  }
.LBB2_1:
0x20: {  	s22 =	simm.s32 @!p0 $0x1C0B  }
0x21: {  	[spmem:s7], [sflag:s22] =	dma.local @!p0 [hbm:s0], $0x3E80  }
0x22: {  	s22 =	simm.s32 @!p0 $0xB  }
0x23: {  	_ =	swait.ge @!p0 [sflag:s22], $0x3E80  }
0x24: {  	[sflag:s22] =	ssyncset.done @!p0 $0x0  }
0x25: {  	[sflag:s22] =	ssyncadd.s32 @!p0 $0xFFFFC180  }
0x26: {  	[tilespmem:s3], [sflag:$0xB] =	stream.linear.gather [hbm4b:s4+s3], $0x1900, $0x38;
	[tilespmem:$0x17B40] =	vst v63  }
0x27: {  	_ =	swait.ge [sflag:s8], $0x1900  }
0x28: {  	[sflag:s8] =	ssyncset.done $0x0  }
0x29: {  	[sflag:s8] =	ssyncadd.s32 $0xFFFFE700  }
0x2a: {  	[bflag:$0x0] =	sbarrier.arrive $0xFFFF  }
0x2b: {  	[tilespmem:s10], [sflag:$0x1] =	stream.indirect.gather [spmem:s2], $0x80, s3, s9, $0xb8;
	[tilespmem:$0x17B40] =	vst v63  }
0x2c: {  	_ = 	snop  }
0x2d: {  	[tilespmem:s11], [sflag:$0x2] =	stream.indirect.gather [spmem:s2], $0x80, s9, s9, $0xb8;
	[tilespmem:$0x17B40] =	vst v63  }
.Ltmp2:
0x2e: {  	_ = 	snop;
	(pc) =	sbr.rel .LBB2_2-.Ltmp2, $4  }
0x2f: {  	_ = 	snop  }
0x30: {  	[tilespmem:s13], [sflag:$0x3] =	stream.indirect.gather [spmem:s2], $0x80, s12, s9, $0xb8;
	[tilespmem:$0x17B40] =	vst v63  }
0x31: {  	s24 =	simm.s32 $0xFFFFFFFF;
	s23 =	smov.u32 s6;
	s22 =	simm.s32 $0x200  }
0x32: {  	[tilespmem:s15], [sflag:$0x4] =	stream.indirect.gather [spmem:s2], $0x80, s14, s9, $0xb8;
	[tilespmem:$0x17B40] =	vst v63  }
.LBB2_3:
0x33: {  	s28 =	sadd.s32 $0x6, s26  }
0x34: {  	_ =	swait.ge [sflag:s28], $0x4000  }
0x35: {  	[sflag:s28] =	ssyncset.done $0x0  }
0x36: {  	[sflag:s28] =	ssyncadd.s32 $0xFFFFC000  }
.LBB2_5:
0x37: {  	s28 =	sshll.u32 s26, $0xE  }
0x38: {  	s31 =	sadd.s32 $0x1, s26;
	s28 =	sor.u32 $0x1C00, s28  }
0x39: {  	[tilespmem:s28], [sflag:s31] =	stream.indirect.gather [spmem:s2], $0x80, s22, s9, $0xb8;
	[tilespmem:$0x17B40] =	vst v63  }
.LBB2_6:
0x3a: {  	s25 =	sadd.s32 $0xCD, s25  }
0x3b: {  	s25 =	sshrl.u32 s25, $0xA  }
0x3c: {  	s25 =	sand.u32 $0x3F, s25  }
0x3d: {  	s25 =	smul.u32 $0x5, s25;
	_ =	sdelay $0x1  }
0x3e: {  	s25 =	ssub.s32 s24, s25  }
0x3f: {  	s25 =	sand.u32 $0xFF, s25  }
0x40: {  	p1 =	sne.s32 s24, $0x31;
	s26 =	sadd.s32 $0x1, s25  }
.Ltmp3:
0x41: {  	_ =	swait.ge [sflag:s26], $0x4000;
	(pc) =	sbr.rel @!p1 .LBB2_7-.Ltmp3, $4  }
0x42: {  	s28 =	sshll.u32 s25, $0xE;
	[sflag:s26] =	ssyncset.done $0x0  }
0x43: {  	s25 =	sadd.s32 $0x6, s25;
	s31 =	sor.u32 $0x1C00, s28;
	[sflag:s26] =	ssyncadd.s32 $0xFFFFC000  }
0x44: {  	[hbm4b:s23+s3] =	stream.linear.scatter [tilespmem:s31], [sflag:s25], $0x4000, $0x38;
	[tilespmem:$0x17B40] =	vst v63  }
0x45: {  	s22 =	sadd.s32 $0x80, s22;
	s23 =	sadd.s32 $0x10000, s23  }
.LBB2_2:
0x46: {  	s25 =	smul.u32 $0xCD, s24;
	_ =	sdelay $0x1  }
0x47: {  	s26 =	sadd.s32 $0x401, s25  }
0x48: {  	s26 =	sshrl.u32 s26, $0xA  }
0x49: {  	s26 =	sand.u32 $0x3F, s26  }
0x4a: {  	p1 =	sgt.u32 s24, $0x2C;
	s26 =	smul.u32 $0x5, s26  }
.Ltmp4:
0x4b: {  	_ = 	snop;
	(pc) =	sbr.rel @!p1 .LBB2_3-.Ltmp4, $4  }
0x4c: {  	_ = 	snop  }
0x4d: {  	s26 =	ssub.s32 s24, s26  }
0x4e: {  	s26 =	sadd.s32 $0x5, s26  }
0x4f: {  	s24 =	sadd.s32 $0x1, s24;
	s26 =	sand.u32 $0xFF, s26  }
0x50: {  	p1 =	sgt.u32 s24, $0x2D  }
.Ltmp5:
0x51: {  	_ = 	snop;
	(pc) =	sbr.rel @p1 .LBB2_6-.Ltmp5, $4  }
.Ltmp6:
0x52: {  	_ = 	snop;
	(pc) =	sbr.rel @!p1 .LBB2_5-.Ltmp6, $4  }
0x53: {  	_ = 	snop  }
0x54: {  	_ = 	snop  }
0x55: {  	_ = 	snop  }
0x56: {  	_ = 	snop  }
.LBB2_8:
0x57: {  	_ =	sfence.sel $0x180000  }
0x58: {  	[bflag:$0x0] =	sbarrier.arrive $0xFFFF  }
0x59: {  	_ =	strace $0x90000047  }
0x5a: {  	s0 =	sadd.s32 @!p0 $0x100000, s1;
	[bflag:$0x2] =	sbarrier.arrive $0xFFFF  }
0x5b: {  	[sflag:s0] =	ssyncadd.tile.s32 @!p0 $0x1;
	_ =	shalt  }
.Lfunc_end2:
_tile_overlayer_lowered:
.L_overlay_start_2:
0x5c: {  	(tag) =	ssettag $0x2  }
0x5d: {  	s0 =	rddreg [dreg:$0x0];
	s2 =	stileid.u32  }
0x5e: {  	s1 =	rddreg [dreg:$0x1];
	p0 =	sne.s32 s2, $0x0  }
0x5f: {  	s3 =	rddreg [dreg:$0x2];
	[bflag:$0x3] =	sbarrier.arrive $0xFFFF;
	s2 =	simm.s32 @!p0 $0x1C0B  }
0x60: {  	[timem:s3], [sflag:s2] =	dma.local @!p0 [hbm:s0], s1  }
0x61: {  	s0 =	simm.s32 @!p0 $0xB  }
0x62: {  	_ =	swait.ge @!p0 [sflag:s0], s1  }
0x63: {  	s1 =	ssub.s32 @!p0 $0x0, s1;
	[sflag:s0] =	ssyncset.done @!p0 $0x0  }
0x64: {  	[sflag:s0] =	ssyncadd.s32 @!p0 s1  }
0x65: {  	[bflag:$0x3] =	sbarrier.arrive $0xFFFF  }
0x66: {  	_ =	shalt  }

</sc_bundles>
